<compile_context>
chip_gen: v7x
topology: tpu7x:2x2x1
jax: 0.10.2.dev20260603
libtpu: 0.0.44.dev20260713+nightly
codegen_flags: <defaults>
</compile_context>

<pallas_src>
import functools

import jax
import jax.numpy as jnp
from jax import lax
from jax.experimental import pallas as pl
from jax.experimental.pallas import tpu as pltpu
from jax.experimental.pallas import tpu_sc as plsc

_GATHER_PER_WORKER = 8
_ROW_BLOCK = 256


def _sc_gather_rows(A, idx):
    UP = idx.shape[0]
    N = A.shape[1]
    n_active = UP // _GATHER_PER_WORKER
    mesh = plsc.VectorSubcoreMesh(core_axis_name="c", subcore_axis_name="s")

    @functools.partial(
        pl.kernel,
        mesh=mesh,
        out_type=jax.ShapeDtypeStruct((UP, N), jnp.float32),
        scratch_types=[
            pltpu.VMEM((_GATHER_PER_WORKER,), jnp.int32),
            pltpu.VMEM((_GATHER_PER_WORKER, N), jnp.float32),
            pltpu.SemaphoreType.DMA,
        ],
    )
    def gather_kernel(A_hbm, idx_hbm, out_hbm, idx_v, rows_v, sem):
        info = plsc.get_sparse_core_info()
        wid = lax.axis_index("s") * info.num_cores + lax.axis_index("c")

        @pl.when(wid < n_active)
        def _():
            base = wid * _GATHER_PER_WORKER
            pltpu.sync_copy(idx_hbm.at[pl.ds(base, _GATHER_PER_WORKER)], idx_v)
            pltpu.async_copy(A_hbm.at[idx_v], rows_v, sem).wait()
            pltpu.sync_copy(rows_v, out_hbm.at[pl.ds(base, _GATHER_PER_WORKER)])

    return gather_kernel(A, idx)


def _onehot(idx, U, UP, N):
    iota_n = lax.broadcasted_iota(jnp.int32, (UP, N), 1)
    row_ok = lax.broadcasted_iota(jnp.int32, (UP, 1), 0) < U
    return jnp.where((idx == iota_n) & row_ok, 1.0, 0.0)


def _solve_body(U, x_ref, au_ref, idx_ref, m_ref, o_ref, p_s, dr_s):
    UP, N = au_ref.shape
    m = m_ref[0, 0]
    onehot = _onehot(idx_ref[...], U, UP, N)

    @pl.when(pl.program_id(0) == 0)
    def _():
        Au = au_ref[...]
        d_col = jnp.maximum(jnp.sum(Au, axis=1, keepdims=True), 1.0)
        d_row = jnp.maximum(
            lax.dot_general(jnp.ones((1, N), jnp.float32), Au,
                            (((1,), (1,)), ((), ())),
                            preferred_element_type=jnp.float32), 1.0)
        W = lax.dot_general(Au, onehot, (((1,), (1,)), ((), ())),
                            preferred_element_type=jnp.float32)
        r_i = lax.broadcasted_iota(jnp.int32, (UP, UP), 0)
        c_i = lax.broadcasted_iota(jnp.int32, (UP, UP), 1)
        K = jnp.where(c_i < r_i, W, 0.0) / d_col
        eye = jnp.where(r_i == c_i, 1.0, 0.0)
        n_sq = max((UP - 1).bit_length() - 1, 0)
        P = eye + K
        Q = K
        for _ in range(n_sq):
            Q = lax.dot_general(Q, Q, (((1,), (0,)), ((), ())),
                                preferred_element_type=jnp.float32)
            P = lax.dot_general(P, eye + Q, (((1,), (0,)), ((), ())),
                                preferred_element_type=jnp.float32)
        p_s[...] = P
        dr_s[...] = d_row

    colmask = jnp.sum(onehot, axis=0, keepdims=True)
    x0 = x_ref[...] * (1.0 - colmask) + m * colmask
    G = lax.dot_general(x0, au_ref[...], (((1,), (1,)), ((), ())),
                        preferred_element_type=jnp.float32)
    d_row = dr_s[...]
    gps = (G - m * d_row) / d_row
    w = lax.dot_general(gps, p_s[...], (((1,), (1,)), ((), ())),
                        preferred_element_type=jnp.float32)
    o_ref[...] = x0 + lax.dot_general(w, onehot, (((1,), (0,)), ((), ())),
                                      preferred_element_type=jnp.float32)


def kernel(input, A, unknown, mask):
    B, T, N = input.shape
    R = B * T
    U = unknown.shape[0]
    UP = max(128, -(-U // _GATHER_PER_WORKER) * _GATHER_PER_WORKER)
    BR = _ROW_BLOCK if R % _ROW_BLOCK == 0 else R

    idx = jnp.pad(unknown.astype(jnp.int32), (0, UP - U))
    Au = _sc_gather_rows(A.astype(jnp.float32), idx)

    x2 = input.astype(jnp.float32).reshape(R, N)
    idx_col = idx.reshape(UP, 1)
    mask_arr = jnp.asarray(mask, jnp.float32).reshape(1, 1)

    out = pl.pallas_call(
        functools.partial(_solve_body, U),
        grid=(R // BR,),
        in_specs=[
            pl.BlockSpec((BR, N), lambda i: (i, 0)),
            pl.BlockSpec((UP, N), lambda i: (0, 0)),
            pl.BlockSpec((UP, 1), lambda i: (0, 0)),
            pl.BlockSpec((1, 1), lambda i: (0, 0)),
        ],
        out_specs=pl.BlockSpec((BR, N), lambda i: (i, 0)),
        scratch_shapes=[
            pltpu.VMEM((UP, UP), jnp.float32),
            pltpu.VMEM((1, UP), jnp.float32),
        ],
        out_shape=jax.ShapeDtypeStruct((R, N), jnp.float32),
    )(x2, Au, idx_col, mask_arr)
    return out.reshape(B, T, N).astype(input.dtype)

# --- scband reference (transcript-rebuilt; emitter-appended) ---
"""Pipeline reference for scband-knn-79345225826553 (READ-ONLY COPY).

The authoritative reference and input builder live on the scoring server;
editing this copy changes nothing except your own understanding.
"""

import jax, jax.numpy as jnp
import numpy as np

N = 1024
B, T = 64, 12
AVG_DEG = 16
KNOWN_FRAC = 0.9


def setup_inputs(seed: int = 0) -> dict:
    key = jax.random.key(seed)
    k1, k2, k3 = jax.random.split(key, 3)
    x = jax.random.normal(k1, (B, T, N), dtype=jnp.float32)
    # binary adjacency with ~AVG_DEG neighbors per node (the torch module's A)
    A = (jax.random.uniform(k2, (N, N)) < (AVG_DEG / N)).astype(jnp.float32)
    # sample = observed node indices; unknown = complement(sample, N)
    rs = np.random.RandomState(0)
    sample = np.sort(rs.permutation(N)[: int(KNOWN_FRAC * N)])
    unknown = np.setdiff1d(np.arange(N), sample)
    # matrix.values in torch init -> dense observation matrix; mask = mean over sampled columns
    matrix = jax.random.normal(k3, (2048, N), dtype=jnp.float32)
    mask = jnp.mean(matrix[:, sample])
    return {
        "input": x,
        "A": A,
        "unknown": jnp.asarray(unknown, dtype=jnp.int32),
        "mask": mask,
    }


def reference(input, A, unknown, mask):
    # input[:, :, unknown] = self.mask  (3D branch of the torch forward)
    x = input.at[:, :, unknown].set(mask)

    # Sequential per-node update: x[:, :, node] = mean(x[:, :, neighbors], dim=-1).
    # neighbors = nonzero(A[node]); for a 0/1 adjacency the neighbor mean equals
    # (x @ A[node]) / deg(node). The loop is order-dependent (earlier updates feed
    # later ones), so we preserve it with lax.scan over the unknown nodes.
    def body(xx, node):
        row = A[node]
        deg = jnp.maximum(jnp.sum(row), 1.0)  # guard vs. isolated node (torch would NaN)
        mean = jnp.einsum('btn,n->bt', xx, row) / deg
        xx = xx.at[:, :, node].set(mean)
        return xx, None

    x, _ = jax.lax.scan(body, x, unknown)
    return x

if __name__ == "__main__":
    import jax
    _d = setup_inputs()
    print(jax.jit(kernel)(*tuple(_d.values())))

</pallas_src>

<mosaic_0001>
#map = affine_map<(d0, d1) -> (0, 0)>
#map1 = affine_map<(d0, d1) -> (0)>
module attributes {stable_mosaic.version = 14 : i64} {
  func.func @gather_kernel(%arg0: i32, %arg1: i32, %arg2: memref<1024x1024xf32, #tpu.memory_space<hbm>>, %arg3: memref<128xi32, #tpu.memory_space<hbm>>, %arg4: memref<128x1024xf32, #tpu.memory_space<hbm>>, %arg5: memref<8xi32, #tpu.memory_space<vmem>>, %arg6: memref<8x1024xf32, #tpu.memory_space<vmem>>, %arg7: memref<!tpu.dma_semaphore, #tpu.memory_space<semaphore_mem>>) attributes {dimension_semantics = [#tpu.dimension_semantics<core_parallel>, #tpu.dimension_semantics<subcore_parallel>], iteration_bounds = array<i64: 2, 16>, scalar_prefetch = 0 : i64, scratch_operands = 3 : i64, tpu.core_type = #tpu.core_type<sc_vector_subcore>, window_params = [{transform_indices = #map}, {transform_indices = #map1}, {transform_indices = #map}]} {
    %mul3A = arith.constant 2 : i32
    %mul3A_0 = arith.muli %arg1, %mul3A : i32
    %add3A = arith.addi %mul3A_0, %arg0 : i32
    %lt3A = arith.constant 16 : i32
    %lt3A_1 = arith.cmpi slt, %add3A, %lt3A : i32
    %convert_element_type3A = arith.extui %lt3A_1 : i1 to i32
    %cond3A = arith.constant 0 : i32
    %cond3A_2 = arith.cmpi ne, %convert_element_type3A, %cond3A : i32
    scf.if %cond3A_2 {
      %mul3A_3 = arith.constant 8 : i32
      %mul3A_4 = arith.muli %add3A, %mul3A_3 : i32
      "tpu.region"() ({
        %run_scoped3A = tpu.sem_alloc : memref<!tpu.dma_semaphore, #tpu.memory_space<semaphore_mem>>
        %dma_start3A_9 = tpu.memref_slice %arg3[%mul3A_4] : memref<128xi32, #tpu.memory_space<hbm>> -> memref<8xi32, #tpu.memory_space<hbm>>
        %dma_start3A_10 = tpu.memref_slice %arg3[%mul3A_4] : memref<128xi32, #tpu.memory_space<hbm>> -> memref<8xi32, #tpu.memory_space<hbm>>
        tpu.enqueue_dma source(%dma_start3A_10 : memref<8xi32, #tpu.memory_space<hbm>>) target(%arg5 : memref<8xi32, #tpu.memory_space<vmem>>) target_semaphore(%run_scoped3A : memref<!tpu.dma_semaphore, #tpu.memory_space<semaphore_mem>>)
        %dma_wait3A_11 = tpu.memref_slice %arg3[%mul3A_4] : memref<128xi32, #tpu.memory_space<hbm>> -> memref<8xi32, #tpu.memory_space<hbm>>
        %dma_wait3A_12 = tpu.memref_slice %arg3[%mul3A_4] : memref<128xi32, #tpu.memory_space<hbm>> -> memref<8xi32, #tpu.memory_space<hbm>>
        tpu.wait_dma2 semaphore(%run_scoped3A : memref<!tpu.dma_semaphore, #tpu.memory_space<semaphore_mem>>) src(%dma_wait3A_12 : memref<8xi32, #tpu.memory_space<hbm>>) dst(%arg5 : memref<8xi32, #tpu.memory_space<vmem>>)
        tpu.yield
      }) : () -> ()
      %dma_start3A = arith.constant 0 : i32
      %dma_start3A_5 = arith.constant 0 : i32
      %dma_start3A_6 = tpu.memref_slice %arg2[%dma_start3A, %dma_start3A_5] : memref<1024x1024xf32, #tpu.memory_space<hbm>> -> memref<1024x1024xf32, #tpu.memory_space<hbm>>
      tpu.enqueue_indirect_dma source(%dma_start3A_6 : memref<1024x1024xf32, #tpu.memory_space<hbm>>) target(%arg6 : memref<8x1024xf32, #tpu.memory_space<vmem>>) offsets(%arg5 : memref<8xi32, #tpu.memory_space<vmem>>) semaphore(%arg7 : memref<!tpu.dma_semaphore, #tpu.memory_space<semaphore_mem>>)
      %dma_wait3A = arith.constant 0 : i32
      %dma_wait3A_7 = arith.constant 0 : i32
      %dma_wait3A_8 = tpu.memref_slice %arg2[%dma_wait3A, %dma_wait3A_7] : memref<1024x1024xf32, #tpu.memory_space<hbm>> -> memref<1024x1024xf32, #tpu.memory_space<hbm>>
      tpu.wait_indirect_dma semaphore(%arg7 : memref<!tpu.dma_semaphore, #tpu.memory_space<semaphore_mem>>) src(%dma_wait3A_8 : memref<1024x1024xf32, #tpu.memory_space<hbm>>) dst(%arg6 : memref<8x1024xf32, #tpu.memory_space<vmem>>)
      "tpu.region"() ({
        %run_scoped3A = tpu.sem_alloc : memref<!tpu.dma_semaphore, #tpu.memory_space<semaphore_mem>>
        %dma_start3A_9 = arith.constant 0 : i32
        %dma_start3A_10 = tpu.memref_slice %arg4[%mul3A_4, %dma_start3A_9] : memref<128x1024xf32, #tpu.memory_space<hbm>> -> memref<8x1024xf32, #tpu.memory_space<hbm>>
        %dma_start3A_11 = arith.constant 0 : i32
        %dma_start3A_12 = tpu.memref_slice %arg4[%mul3A_4, %dma_start3A_11] : memref<128x1024xf32, #tpu.memory_space<hbm>> -> memref<8x1024xf32, #tpu.memory_space<hbm>>
        tpu.enqueue_dma source(%arg6 : memref<8x1024xf32, #tpu.memory_space<vmem>>) target(%dma_start3A_12 : memref<8x1024xf32, #tpu.memory_space<hbm>>) target_semaphore(%run_scoped3A : memref<!tpu.dma_semaphore, #tpu.memory_space<semaphore_mem>>)
        %dma_wait3A_13 = arith.constant 0 : i32
        %dma_wait3A_14 = tpu.memref_slice %arg4[%mul3A_4, %dma_wait3A_13] : memref<128x1024xf32, #tpu.memory_space<hbm>> -> memref<8x1024xf32, #tpu.memory_space<hbm>>
        %dma_wait3A_15 = arith.constant 0 : i32
        %dma_wait3A_16 = tpu.memref_slice %arg4[%mul3A_4, %dma_wait3A_15] : memref<128x1024xf32, #tpu.memory_space<hbm>> -> memref<8x1024xf32, #tpu.memory_space<hbm>>
        tpu.wait_dma2 semaphore(%run_scoped3A : memref<!tpu.dma_semaphore, #tpu.memory_space<semaphore_mem>>) src(%arg6 : memref<8x1024xf32, #tpu.memory_space<vmem>>) dst(%dma_wait3A_16 : memref<8x1024xf32, #tpu.memory_space<hbm>>)
        tpu.yield
      }) : () -> ()
    } else {
    }
    return
  }
}

module attributes {stable_mosaic.version = 14 : i64} {
  func.func @_solve_body(%arg0: i32, %arg1: memref<256x1024xf32, #tpu.memory_space<vmem>>, %arg2: memref<128x1024xf32, #tpu.memory_space<vmem>>, %arg3: memref<128x1xi32, #tpu.memory_space<vmem>>, %arg4: memref<1x1xf32, #tpu.memory_space<vmem>>, %arg5: memref<256x1024xf32, #tpu.memory_space<vmem>>, %arg6: memref<128x128xf32, #tpu.memory_space<vmem>>, %arg7: memref<1x128xf32, #tpu.memory_space<vmem>>) attributes {dimension_semantics = [#tpu.dimension_semantics<arbitrary>], iteration_bounds = array<i64: 3>, scalar_prefetch = 0 : i64, scratch_operands = 2 : i64, tpu.core_type = #tpu.core_type<tc>, window_params = [{transform_indices = @transform_0, window_bounds = array<i64: 256, 1024>}, {pipeline_mode = #tpu.pipeline_mode<synchronous>, transform_indices = @transform_1, window_bounds = array<i64: 128, 1024>}, {pipeline_mode = #tpu.pipeline_mode<synchronous>, transform_indices = @transform_2, window_bounds = array<i64: 128, 1>}, {pipeline_mode = #tpu.pipeline_mode<synchronous>, transform_indices = @transform_3, window_bounds = array<i64: 1, 1>}, {transform_indices = @transform_4, window_bounds = array<i64: 256, 1024>}]} {
    %get3A = arith.constant 0 : index
    %get3A_0 = arith.constant 0 : index
    %get3A_1 = vector.load %arg4[%get3A, %get3A_0] : memref<1x1xf32, #tpu.memory_space<vmem>>, vector<1x1xf32>
    %get3A_2 = vector.extract %get3A_1[0, 0] : f32 from vector<1x1xf32>
    %get3A_3 = arith.constant 0 : index
    %get3A_4 = arith.constant 0 : index
    %get3A_5 = vector.load %arg3[%get3A_3, %get3A_4] : memref<128x1xi32, #tpu.memory_space<vmem>>, vector<128x1xi32>
    %iota3A = tpu.iota {dimensions = array<i32: 1>} : vector<128x1024xi32>
    %iota3A_6 = tpu.iota {dimensions = array<i32: 0>} : vector<128x1xi32>
    %lt3A = arith.constant 103 : i32
    %lt3A_7 = vector.broadcast %lt3A : i32 to vector<128x1xi32>
    %lt3A_8 = arith.cmpi slt, %iota3A_6, %lt3A_7 : vector<128x1xi32>
    %eq3A = vector.broadcast %get3A_5 : vector<128x1xi32> to vector<128x1024xi32>
    %eq3A_9 = arith.cmpi eq, %eq3A, %iota3A : vector<128x1024xi32>
    %and3A = vector.broadcast %lt3A_8 : vector<128x1xi1> to vector<128x1024xi1>
    %and3A_10 = arith.andi %eq3A_9, %and3A : vector<128x1024xi1>
    %jit3A = arith.constant 1.000000e+00 : f32
    %jit3A_11 = arith.constant 0.000000e+00 : f32
    %broadcast_in_dim3A = vector.broadcast %jit3A : f32 to vector<128x1024xf32>
    %broadcast_in_dim3A_12 = vector.broadcast %jit3A_11 : f32 to vector<128x1024xf32>
    %select_n3A = arith.select %and3A_10, %broadcast_in_dim3A, %broadcast_in_dim3A_12 : vector<128x1024xi1>, vector<128x1024xf32>
    %eq3A_13 = arith.constant 0 : i32
    %eq3A_14 = arith.cmpi eq, %arg0, %eq3A_13 : i32
    %convert_element_type3A = arith.extui %eq3A_14 : i1 to i32
    %cond3A = arith.constant 0 : i32
    %cond3A_15 = arith.cmpi ne, %convert_element_type3A, %cond3A : i32
    scf.if %cond3A_15 {
      %get3A_49 = arith.constant 0 : index
      %get3A_50 = arith.constant 0 : index
      %get3A_51 = vector.load %arg2[%get3A_49, %get3A_50] : memref<128x1024xf32, #tpu.memory_space<vmem>>, vector<128x1024xf32>
      %reduce_sum3A_52 = arith.constant dense<0.000000e+00> : vector<128xf32>
      %reduce_sum3A_53 = vector.multi_reduction <add>, %get3A_51, %reduce_sum3A_52 [1] : vector<128x1024xf32> to vector<128xf32>
      %broadcast_in_dim3A_54 = vector.shape_cast %reduce_sum3A_53 : vector<128xf32> to vector<128x1xf32>
      %max3A = arith.constant 1.000000e+00 : f32
      %max3A_55 = vector.broadcast %max3A : f32 to vector<128x1xf32>
      %max3A_56 = arith.maximumf %broadcast_in_dim3A_54, %max3A_55 : vector<128x1xf32>
      %broadcast_in_dim3A_57 = arith.constant 1.000000e+00 : f32
      %broadcast_in_dim3A_58 = vector.broadcast %broadcast_in_dim3A_57 : f32 to vector<1x1024xf32>
      %dot_general3A_59 = arith.constant dense<0.000000e+00> : vector<1x128xf32>
      %dot_general3A_60 = tpu.matmul %broadcast_in_dim3A_58, %get3A_51, %dot_general3A_59 {dimension_numbers = #tpu.dot_dimension_numbers<[1], [1], [0], [0], [0, 0, 1, 0], [], []>, transpose_lhs_hint = false} : vector<1x1024xf32>, vector<128x1024xf32>, vector<1x128xf32> -> vector<1x128xf32>
      %max3A_61 = arith.constant 1.000000e+00 : f32
      %max3A_62 = vector.broadcast %max3A_61 : f32 to vector<1x128xf32>
      %max3A_63 = arith.maximumf %dot_general3A_60, %max3A_62 : vector<1x128xf32>
      %dot_general3A_64 = arith.constant dense<0.000000e+00> : vector<128x128xf32>
      %dot_general3A_65 = tpu.matmul %get3A_51, %select_n3A, %dot_general3A_64 {dimension_numbers = #tpu.dot_dimension_numbers<[1], [1], [0], [0], [0, 0, 1, 0], [], []>, transpose_lhs_hint = false} : vector<128x1024xf32>, vector<128x1024xf32>, vector<128x128xf32> -> vector<128x128xf32>
      %iota3A_66 = tpu.iota {dimensions = array<i32: 0>} : vector<128x128xi32>
      %iota3A_67 = tpu.iota {dimensions = array<i32: 1>} : vector<128x128xi32>
      %lt3A_68 = arith.cmpi slt, %iota3A_67, %iota3A_66 : vector<128x128xi32>
      %jit3A_69 = arith.constant 0.000000e+00 : f32
      %broadcast_in_dim3A_70 = vector.broadcast %jit3A_69 : f32 to vector<128x128xf32>
      %select_n3A_71 = arith.select %lt3A_68, %dot_general3A_65, %broadcast_in_dim3A_70 : vector<128x128xi1>, vector<128x128xf32>
      %div3A_72 = vector.broadcast %max3A_56 : vector<128x1xf32> to vector<128x128xf32>
      %div3A_73 = arith.divf %select_n3A_71, %div3A_72 : vector<128x128xf32>
      %eq3A_74 = arith.cmpi eq, %iota3A_66, %iota3A_67 : vector<128x128xi32>
      %jit3A_75 = arith.constant 1.000000e+00 : f32
      %jit3A_76 = arith.constant 0.000000e+00 : f32
      %broadcast_in_dim3A_77 = vector.broadcast %jit3A_75 : f32 to vector<128x128xf32>
      %broadcast_in_dim3A_78 = vector.broadcast %jit3A_76 : f32 to vector<128x128xf32>
      %select_n3A_79 = arith.select %eq3A_74, %broadcast_in_dim3A_77, %broadcast_in_dim3A_78 : vector<128x128xi1>, vector<128x128xf32>
      %add3A_80 = arith.addf %select_n3A_79, %div3A_73 : vector<128x128xf32>
      %dot_general3A_81 = arith.constant dense<0.000000e+00> : vector<128x128xf32>
      %dot_general3A_82 = tpu.matmul %div3A_73, %div3A_73, %dot_general3A_81 {dimension_numbers = #tpu.dot_dimension_numbers<[1], [0], [0], [1], [0, 0, 1, 1], [], []>, transpose_lhs_hint = false} : vector<128x128xf32>, vector<128x128xf32>, vector<128x128xf32> -> vector<128x128xf32>
      %add3A_83 = arith.addf %select_n3A_79, %dot_general3A_82 : vector<128x128xf32>
      %dot_general3A_84 = arith.constant dense<0.000000e+00> : vector<128x128xf32>
      %dot_general3A_85 = tpu.matmul %add3A_80, %add3A_83, %dot_general3A_84 {dimension_numbers = #tpu.dot_dimension_numbers<[1], [0], [0], [1], [0, 0, 1, 1], [], []>, transpose_lhs_hint = false} : vector<128x128xf32>, vector<128x128xf32>, vector<128x128xf32> -> vector<128x128xf32>
      %dot_general3A_86 = arith.constant dense<0.000000e+00> : vector<128x128xf32>
      %dot_general3A_87 = tpu.matmul %dot_general3A_82, %dot_general3A_82, %dot_general3A_86 {dimension_numbers = #tpu.dot_dimension_numbers<[1], [0], [0], [1], [0, 0, 1, 1], [], []>, transpose_lhs_hint = false} : vector<128x128xf32>, vector<128x128xf32>, vector<128x128xf32> -> vector<128x128xf32>
      %add3A_88 = arith.addf %select_n3A_79, %dot_general3A_87 : vector<128x128xf32>
      %dot_general3A_89 = arith.constant dense<0.000000e+00> : vector<128x128xf32>
      %dot_general3A_90 = tpu.matmul %dot_general3A_85, %add3A_88, %dot_general3A_89 {dimension_numbers = #tpu.dot_dimension_numbers<[1], [0], [0], [1], [0, 0, 1, 1], [], []>, transpose_lhs_hint = false} : vector<128x128xf32>, vector<128x128xf32>, vector<128x128xf32> -> vector<128x128xf32>
      %dot_general3A_91 = arith.constant dense<0.000000e+00> : vector<128x128xf32>
      %dot_general3A_92 = tpu.matmul %dot_general3A_87, %dot_general3A_87, %dot_general3A_91 {dimension_numbers = #tpu.dot_dimension_numbers<[1], [0], [0], [1], [0, 0, 1, 1], [], []>, transpose_lhs_hint = false} : vector<128x128xf32>, vector<128x128xf32>, vector<128x128xf32> -> vector<128x128xf32>
      %add3A_93 = arith.addf %select_n3A_79, %dot_general3A_92 : vector<128x128xf32>
      %dot_general3A_94 = arith.constant dense<0.000000e+00> : vector<128x128xf32>
      %dot_general3A_95 = tpu.matmul %dot_general3A_90, %add3A_93, %dot_general3A_94 {dimension_numbers = #tpu.dot_dimension_numbers<[1], [0], [0], [1], [0, 0, 1, 1], [], []>, transpose_lhs_hint = false} : vector<128x128xf32>, vector<128x128xf32>, vector<128x128xf32> -> vector<128x128xf32>
      %dot_general3A_96 = arith.constant dense<0.000000e+00> : vector<128x128xf32>
      %dot_general3A_97 = tpu.matmul %dot_general3A_92, %dot_general3A_92, %dot_general3A_96 {dimension_numbers = #tpu.dot_dimension_numbers<[1], [0], [0], [1], [0, 0, 1, 1], [], []>, transpose_lhs_hint = false} : vector<128x128xf32>, vector<128x128xf32>, vector<128x128xf32> -> vector<128x128xf32>
      %add3A_98 = arith.addf %select_n3A_79, %dot_general3A_97 : vector<128x128xf32>
      %dot_general3A_99 = arith.constant dense<0.000000e+00> : vector<128x128xf32>
      %dot_general3A_100 = tpu.matmul %dot_general3A_95, %add3A_98, %dot_general3A_99 {dimension_numbers = #tpu.dot_dimension_numbers<[1], [0], [0], [1], [0, 0, 1, 1], [], []>, transpose_lhs_hint = false} : vector<128x128xf32>, vector<128x128xf32>, vector<128x128xf32> -> vector<128x128xf32>
      %dot_general3A_101 = arith.constant dense<0.000000e+00> : vector<128x128xf32>
      %dot_general3A_102 = tpu.matmul %dot_general3A_97, %dot_general3A_97, %dot_general3A_101 {dimension_numbers = #tpu.dot_dimension_numbers<[1], [0], [0], [1], [0, 0, 1, 1], [], []>, transpose_lhs_hint = false} : vector<128x128xf32>, vector<128x128xf32>, vector<128x128xf32> -> vector<128x128xf32>
      %add3A_103 = arith.addf %select_n3A_79, %dot_general3A_102 : vector<128x128xf32>
      %dot_general3A_104 = arith.constant dense<0.000000e+00> : vector<128x128xf32>
      %dot_general3A_105 = tpu.matmul %dot_general3A_100, %add3A_103, %dot_general3A_104 {dimension_numbers = #tpu.dot_dimension_numbers<[1], [0], [0], [1], [0, 0, 1, 1], [], []>, transpose_lhs_hint = false} : vector<128x128xf32>, vector<128x128xf32>, vector<128x128xf32> -> vector<128x128xf32>
      %dot_general3A_106 = arith.constant dense<0.000000e+00> : vector<128x128xf32>
      %dot_general3A_107 = tpu.matmul %dot_general3A_102, %dot_general3A_102, %dot_general3A_106 {dimension_numbers = #tpu.dot_dimension_numbers<[1], [0], [0], [1], [0, 0, 1, 1], [], []>, transpose_lhs_hint = false} : vector<128x128xf32>, vector<128x128xf32>, vector<128x128xf32> -> vector<128x128xf32>
      %add3A_108 = arith.addf %select_n3A_79, %dot_general3A_107 : vector<128x128xf32>
      %dot_general3A_109 = arith.constant dense<0.000000e+00> : vector<128x128xf32>
      %dot_general3A_110 = tpu.matmul %dot_general3A_105, %add3A_108, %dot_general3A_109 {dimension_numbers = #tpu.dot_dimension_numbers<[1], [0], [0], [1], [0, 0, 1, 1], [], []>, transpose_lhs_hint = false} : vector<128x128xf32>, vector<128x128xf32>, vector<128x128xf32> -> vector<128x128xf32>
      %swap3A_111 = arith.constant 0 : index
      %swap3A_112 = arith.constant 0 : index
      %swap3A_113 = vector.load %arg6[%swap3A_111, %swap3A_112] : memref<128x128xf32, #tpu.memory_space<vmem>>, vector<128x128xf32>
      tpu.vector_store %arg6[%swap3A_111, %swap3A_112], %dot_general3A_110 {strides = array<i32>} : memref<128x128xf32, #tpu.memory_space<vmem>>, vector<128x128xf32>,
      %swap3A_114 = arith.constant 0 : index
      %swap3A_115 = arith.constant 0 : index
      %swap3A_116 = vector.load %arg7[%swap3A_114, %swap3A_115] : memref<1x128xf32, #tpu.memory_space<vmem>>, vector<1x128xf32>
      tpu.vector_store %arg7[%swap3A_114, %swap3A_115], %max3A_63 {strides = array<i32>} : memref<1x128xf32, #tpu.memory_space<vmem>>, vector<1x128xf32>,
    } else {
    }
    %reduce_sum3A = arith.constant dense<0.000000e+00> : vector<1024xf32>
    %reduce_sum3A_16 = vector.multi_reduction <add>, %select_n3A, %reduce_sum3A [0] : vector<128x1024xf32> to vector<1024xf32>
    %broadcast_in_dim3A_17 = vector.shape_cast %reduce_sum3A_16 : vector<1024xf32> to vector<1x1024xf32>
    %get3A_18 = arith.constant 0 : index
    %get3A_19 = arith.constant 0 : index
    %get3A_20 = vector.load %arg1[%get3A_18, %get3A_19] : memref<256x1024xf32, #tpu.memory_space<vmem>>, vector<256x1024xf32>
    %sub3A = arith.constant 1.000000e+00 : f32
    %sub3A_21 = vector.broadcast %sub3A : f32 to vector<1x1024xf32>
    %sub3A_22 = arith.subf %sub3A_21, %broadcast_in_dim3A_17 : vector<1x1024xf32>
    %mul3A = vector.broadcast %sub3A_22 : vector<1x1024xf32> to vector<256x1024xf32>
    %mul3A_23 = arith.mulf %get3A_20, %mul3A : vector<256x1024xf32>
    %mul3A_24 = vector.broadcast %get3A_2 : f32 to vector<1x1024xf32>
    %mul3A_25 = arith.mulf %mul3A_24, %broadcast_in_dim3A_17 : vector<1x1024xf32>
    %add3A = vector.broadcast %mul3A_25 : vector<1x1024xf32> to vector<256x1024xf32>
    %add3A_26 = arith.addf %mul3A_23, %add3A : vector<256x1024xf32>
    %get3A_27 = arith.constant 0 : index
    %get3A_28 = arith.constant 0 : index
    %get3A_29 = vector.load %arg2[%get3A_27, %get3A_28] : memref<128x1024xf32, #tpu.memory_space<vmem>>, vector<128x1024xf32>
    %dot_general3A = arith.constant dense<0.000000e+00> : vector<256x128xf32>
    %dot_general3A_30 = tpu.matmul %add3A_26, %get3A_29, %dot_general3A {dimension_numbers = #tpu.dot_dimension_numbers<[1], [1], [0], [0], [0, 0, 1, 0], [], []>, transpose_lhs_hint = false} : vector<256x1024xf32>, vector<128x1024xf32>, vector<256x128xf32> -> vector<256x128xf32>
    %get3A_31 = arith.constant 0 : index
    %get3A_32 = arith.constant 0 : index
    %get3A_33 = vector.load %arg7[%get3A_31, %get3A_32] : memref<1x128xf32, #tpu.memory_space<vmem>>, vector<1x128xf32>
    %mul3A_34 = vector.broadcast %get3A_2 : f32 to vector<1x128xf32>
    %mul3A_35 = arith.mulf %mul3A_34, %get3A_33 : vector<1x128xf32>
    %sub3A_36 = vector.broadcast %mul3A_35 : vector<1x128xf32> to vector<256x128xf32>
    %sub3A_37 = arith.subf %dot_general3A_30, %sub3A_36 : vector<256x128xf32>
    %div3A = vector.broadcast %get3A_33 : vector<1x128xf32> to vector<256x128xf32>
    %div3A_38 = arith.divf %sub3A_37, %div3A : vector<256x128xf32>
    %get3A_39 = arith.constant 0 : index
    %get3A_40 = arith.constant 0 : index
    %get3A_41 = vector.load %arg6[%get3A_39, %get3A_40] : memref<128x128xf32, #tpu.memory_space<vmem>>, vector<128x128xf32>
    %dot_general3A_42 = arith.constant dense<0.000000e+00> : vector<256x128xf32>
    %dot_general3A_43 = tpu.matmul %div3A_38, %get3A_41, %dot_general3A_42 {dimension_numbers = #tpu.dot_dimension_numbers<[1], [1], [0], [0], [0, 0, 1, 0], [], []>, transpose_lhs_hint = false} : vector<256x128xf32>, vector<128x128xf32>, vector<256x128xf32> -> vector<256x128xf32>
    %dot_general3A_44 = arith.constant dense<0.000000e+00> : vector<256x1024xf32>
    %dot_general3A_45 = tpu.matmul %dot_general3A_43, %select_n3A, %dot_general3A_44 {dimension_numbers = #tpu.dot_dimension_numbers<[1], [0], [0], [1], [0, 0, 1, 1], [], []>, transpose_lhs_hint = false} : vector<256x128xf32>, vector<128x1024xf32>, vector<256x1024xf32> -> vector<256x1024xf32>
    %add3A_46 = arith.addf %add3A_26, %dot_general3A_45 : vector<256x1024xf32>
    %swap3A = arith.constant 0 : index
    %swap3A_47 = arith.constant 0 : index
    %swap3A_48 = vector.load %arg5[%swap3A, %swap3A_47] : memref<256x1024xf32, #tpu.memory_space<vmem>>, vector<256x1024xf32>
    tpu.vector_store %arg5[%swap3A, %swap3A_47], %add3A_46 {strides = array<i32>} : memref<256x1024xf32, #tpu.memory_space<vmem>>, vector<256x1024xf32>,
    return
  }
  func.func @transform_0(%arg0: i32) -> (i32, i32) {
    %c0_i32 = arith.constant 0 : i32
    %c0_i32_0 = arith.constant 0 : i32
    return %arg0, %c0_i32 : i32, i32
  }
  func.func @transform_1(%arg0: i32) -> (i32, i32) {
    %c0_i32 = arith.constant 0 : i32
    %c0_i32_0 = arith.constant 0 : i32
    %c0_i32_1 = arith.constant 0 : i32
    return %c0_i32, %c0_i32_0 : i32, i32
  }
  func.func @transform_2(%arg0: i32) -> (i32, i32) {
    %c0_i32 = arith.constant 0 : i32
    %c0_i32_0 = arith.constant 0 : i32
    %c0_i32_1 = arith.constant 0 : i32
    return %c0_i32, %c0_i32_0 : i32, i32
  }
  func.func @transform_3(%arg0: i32) -> (i32, i32) {
    %c0_i32 = arith.constant 0 : i32
    %c0_i32_0 = arith.constant 0 : i32
    %c0_i32_1 = arith.constant 0 : i32
    return %c0_i32, %c0_i32_0 : i32, i32
  }
  func.func @transform_4(%arg0: i32) -> (i32, i32) {
    %c0_i32 = arith.constant 0 : i32
    %c0_i32_0 = arith.constant 0 : i32
    return %arg0, %c0_i32 : i32, i32
  }
}

</mosaic_0001>

<sc_bundles>
// kernel: kernel.4.cloned.1.call-start
scs
__scs_entry_jumppad:
0x0: {  	(pc) =	sbr.rel $0x88, $3  }
0x1: {  	(tag) =	ssettag $0x0;
	lr =	simm.s32 $0x1  }
0x2: {  	[smem:$0x3F9D] =	sst lr;
	_ =	strace $0xD0000000  }
0x3: {  	_ = 	snop  }
0x4: {  	_ = 	snop  }
0x5: {  	_ = 	snop  }
0x6: {  	_ = 	snop  }
0x7: {  	_ = 	snop  }
__scs_overlays_trampoline_lowered:
0x8: {  	[smem:$0x3FAC] =	sst s0  }
0x9: {  	[smem:$0x3FAD] =	sst s1  }
0xa: {  	[smem:$0x3FAE] =	sst s2  }
0xb: {  	[smem:$0x3FAF] =	sst s3  }
0xc: {  	[smem:$0x3FB0] =	sst s4  }
0xd: {  	[smem:$0x3FB1] =	sst s5  }
0xe: {  	[smem:$0x3FB2] =	sst s6  }
0xf: {  	[smem:$0x3FB3] =	sst s7  }
0x10: {  	[smem:$0x3FB4] =	sst s8  }
0x11: {  	[smem:$0x3FB5] =	sst s9;
	s0 =	simm.s32 @!p0 $0x0  }
0x12: {  	s1 =	sld [smem:$0x3F9B];
	s0 =	simm.s32 @p0 $0x1  }
0x13: {  	[smem:$0x3FB6] =	sst s0;
	s0 =	simm.s32 @!p1 $0x0  }
0x14: {  	s2 =	sld [smem:$0x3F9A];
	s0 =	simm.s32 @p1 $0x1  }
0x15: {  	[smem:$0x3FB7] =	sst s0;
	s0 =	simm.s32 @!p2 $0x0  }
0x16: {  	s3 =	sld [smem:$0x3FDB];
	s0 =	simm.s32 @p2 $0x1  }
0x17: {  	s4 =	simm.s32 $0x1BF5;
	[smem:$0x3FB9] =	sst s0  }
0x18: {  	s0 =	sld [smem:$0x3F9C];
	_ =	swait.ge [sflag:s4], $0x0  }
0x19: {  	s7 =	sld [smem:$0x3F9D]  }
0x1a: {  	s8 =	sadd.s32 $0xFFFFE003, lr  }
0x1b: {  	s9 =	sadd.s32 $0xFFFFFEF7, lr;
	s5 =	simm.s32 $0xFFFFFFFF;
	p2 =	slt.u32 s8, $0xFFFFF086  }
0x1c: {  	p1 =	slt.u32 s9, $0xF7A;
	s5 =	simm.s32 @!p2 $0x0  }
0x1d: {  	s5 =	simm.s32 @p1 $0x1;
	p0 =	seq.s32 s7, s2  }
0x1e: {  	s7 =	smul.u32 @!p0 $0xF7A, s2;
	p2 =	seq.s32 @!p0 s5, $0x0  }
0x1f: {  	s9 =	smul.u32 $0xF7A, s1;
	s8 =	simm.s32 @!p0 $0x1BF5;
	p2 =	por !p2, p0  }
0x20: {  	[sflag:s8] =	ssyncset.s32 @!p0 $0xFFFFF086;
	s6 =	sadd.s32 @!p0 s3, s7;
	s7 =	simm.s32 @!p0 $0x108  }
0x21: {  	s3 =	sadd.s32 s3, s9;
	s6 =	sadd.s32 @!p0 $0x88, s6;
	s7 =	simm.s32 @p2 $0x1082  }
0x22: {  	[simem:s7], [sflag:s8] =	dma.local @!p0 [hbm:s6], $0xF7A  }
0x23: {  	s9 =	sor.u32 $0xD0000000, s2;
	s6 =	simm.s32 $0x108;
	_ =	swait.ge @!p0 [sflag:s8], $0x0  }
0x24: {  	s3 =	sadd.s32 $0x88, s3;
	s6 =	simm.s32 @!p1 $0x1082;
	[sflag:s4] =	ssyncset.s32 $0xFFFFF086  }
0x25: {  	[simem:s6], [sflag:s4] =	dma.local [hbm:s3], $0xF7A  }
0x26: {  	[smem:$0x3F9D] =	sst s1;
	(tag) =	ssettag s2;
	_ =	strace s9  }
0x27: {  	s1 =	sld [smem:$0x3FAD]  }
0x28: {  	s2 =	sld [smem:$0x3FAE]  }
0x29: {  	s4 =	sld [smem:$0x3FB0]  }
0x2a: {  	p0 =	seq.s32 s5, $0x0;
	s5 =	sld [smem:$0x3FB1]  }
0x2b: {  	s6 =	sld [smem:$0x3FB2]  }
0x2c: {  	s7 =	sld [smem:$0x3FB3]  }
0x2d: {  	s3 =	simm.s32 $0x108;
	s8 =	sld [smem:$0x3FB4]  }
0x2e: {  	s3 =	simm.s32 @!p0 $0x1082;
	s9 =	sld [smem:$0x3FB5]  }
0x2f: {  	lr =	sadd.s32 s0, s3;
	s0 =	sld [smem:$0x3FAC]  }
0x30: {  	s3 =	sld [smem:$0x3FAF]  }
0x31: {  	[smem:$0x3FB8] =	sst s10  }
0x32: {  	s10 =	sld [smem:$0x3FB6];
	_ =	sdelay $0x3  }
0x33: {  	p0 =	seq.s32 s10, $0x1;
	s10 =	sld [smem:$0x3FB8];
	_ =	sdelay $0x3  }
0x34: {  	[smem:$0x3FB8] =	sst s10  }
0x35: {  	s10 =	sld [smem:$0x3FB7];
	_ =	sdelay $0x3  }
0x36: {  	p1 =	seq.s32 s10, $0x1;
	s10 =	sld [smem:$0x3FB8];
	_ =	sdelay $0x3  }
0x37: {  	[smem:$0x3FB8] =	sst s10  }
0x38: {  	s10 =	sld [smem:$0x3FB9]  }
0x39: {  	_ = 	snop;
	(pc) =	sbr.ind lr, $3  }
0x3a: {  	_ = 	snop  }
0x3b: {  	_ = 	snop  }
0x3c: {  	p2 =	seq.s32 s10, $0x1;
	s10 =	sld [smem:$0x3FB8]  }
0x3d: {  	_ =	shalt  }
0x3e: {  	_ =	shalt  }
0x3f: {  	_ =	shalt  }
0x40: {  	_ =	shalt  }
0x41: {  	_ =	shalt  }
0x42: {  	_ =	shalt  }
0x43: {  	_ =	shalt  }
0x44: {  	_ =	shalt  }
0x45: {  	_ =	shalt  }
0x46: {  	_ =	shalt  }
0x47: {  	_ =	shalt  }
0x48: {  	_ =	shalt  }
0x49: {  	_ =	shalt  }
0x4a: {  	_ =	shalt  }
0x4b: {  	_ =	shalt  }
0x4c: {  	_ =	shalt  }
0x4d: {  	_ =	shalt  }
0x4e: {  	_ =	shalt  }
0x4f: {  	_ =	shalt  }
0x50: {  	_ =	shalt  }
0x51: {  	_ =	shalt  }
0x52: {  	_ =	shalt  }
0x53: {  	_ =	shalt  }
0x54: {  	_ =	shalt  }
0x55: {  	_ =	shalt  }
0x56: {  	_ =	shalt  }
0x57: {  	_ =	shalt  }
0x58: {  	_ =	shalt  }
0x59: {  	_ =	shalt  }
0x5a: {  	_ =	shalt  }
0x5b: {  	_ =	shalt  }
0x5c: {  	_ =	shalt  }
0x5d: {  	_ =	shalt  }
0x5e: {  	_ =	shalt  }
0x5f: {  	_ =	shalt  }
0x60: {  	_ =	shalt  }
0x61: {  	_ =	shalt  }
0x62: {  	_ =	shalt  }
0x63: {  	_ =	shalt  }
0x64: {  	_ =	shalt  }
0x65: {  	_ =	shalt  }
0x66: {  	_ =	shalt  }
0x67: {  	_ =	shalt  }
0x68: {  	_ =	shalt  }
0x69: {  	_ =	shalt  }
0x6a: {  	_ =	shalt  }
0x6b: {  	_ =	shalt  }
0x6c: {  	_ =	shalt  }
0x6d: {  	_ =	shalt  }
0x6e: {  	_ =	shalt  }
0x6f: {  	_ =	shalt  }
0x70: {  	_ =	shalt  }
0x71: {  	_ =	shalt  }
0x72: {  	_ =	shalt  }
0x73: {  	_ =	shalt  }
0x74: {  	_ =	shalt  }
0x75: {  	_ =	shalt  }
0x76: {  	_ =	shalt  }
0x77: {  	_ =	shalt  }
0x78: {  	_ =	shalt  }
0x79: {  	_ =	shalt  }
0x7a: {  	_ =	shalt  }
0x7b: {  	_ =	shalt  }
0x7c: {  	_ =	shalt  }
0x7d: {  	_ =	shalt  }
0x7e: {  	_ =	shalt  }
0x7f: {  	_ =	shalt  }
0x80: {  	_ =	shalt  }
0x81: {  	_ =	shalt  }
0x82: {  	_ =	shalt  }
0x83: {  	_ =	shalt  }
0x84: {  	_ =	shalt  }
0x85: {  	_ =	shalt  }
0x86: {  	_ =	shalt  }
0x87: {  	_ =	shalt  }
.Lfunc_end0:
.L_simem_size_0:
called_computation_lowered:
.L_overlay_start_0:
0x88: {  	s2 =	sld [smem:$0x3FD9]  }
0x89: {  	s3 =	sld [smem:$0x3FFE];
	_ =	sdelay $0x1  }
0x8a: {  	s1 =	srdreg.scid  }
0x8b: {  	s0 =	sand.u32 $0x1, s1  }
0x8c: {  	s17 =	sshll.u32 s0, $0xA;
	s2 =	sadd.s32 s3, s2  }
0x8d: {  	s2 =	sadd.s32 s2, s17  }
0x8e: {  	[smem:$0x3FC4] =	sst s2  }
0x8f: {  	_ = 	snop  }
0x90: {  	s2 =	sld [smem:$0x3FC8]  }
0x91: {  	s18 =	sld [smem:$0x3FD0];
	(tm) =	ssettm $0x1  }
0x92: {  	s4 =	sld [smem:$0x3FFB];
	_ =	sdelay $0x3  }
0x93: {  	_ =	strace s4  }
0x94: {  	s4 =	sld [smem:$0x3FFC];
	_ =	sdelay $0x3  }
0x95: {  	_ =	strace s4  }
0x96: {  	s4 =	sld [smem:$0x3FFD];
	_ =	sdelay $0x3  }
0x97: {  	_ =	strace s4  }
0x98: {  	_ =	strace $0x8FFFFFFF  }
0x99: {  	s19 =	sld [smem:$0x3FDB];
	_ =	sdelay $0x1  }
0x9a: {  	s5 =	simm.s32 $_scs_section_size  }
0x9b: {  	s6 =	simm.s32 $_size__tile_overlayer_lowered;
	s7 =	simm.s32 $_tile_overlayer_lowered  }
0x9c: {  	s22 =	simm.s32 $0x1BFF;
	s21 =	sshll.u32 s7, $0x1;
	s4 =	sadd.s32 s5, s19  }
0x9d: {  	s8 =	simm.s32 $0x0;
	s20 =	sshll.u32 s6, $0x1;
	s6 =	sadd.s32 s21, s4  }
0x9e: {  	[timem:s8], [sflag:s22] =	dma.local [hbm:s6], s20  }
0x9f: {  	_ =	swait.ge [sflag:s22], s20  }
0xa0: {  	s5 =	ssub.s32 $0x0, s20;
	[sflag:s22] =	ssyncset.done $0x0  }
0xa1: {  	[sflag:s22] =	ssyncadd.s32 s5;
	_ =	sdelay $0x1  }
0xa2: {  	s23 =	simm.s32 $0x1B8B  }
0xa3: {  	_ =	swait.ge [sflag:s23], $0x1  }
0xa4: {  	[sflag:s23] =	ssyncset.done $0x0  }
0xa5: {  	s25 =	simm.s32 $0x1B8E;
	s24 =	sld [smem:$0x3FFE];
	[sflag:s23] =	ssyncadd.s32 $0xFFFFFFFF  }
0xa6: {  	s26 =	simm.s32 $execute0_lowered;
	[smem:$0x3FD2] =	sst s25  }
0xa7: {  	s6 =	sshll.u32 s26, $0x1;
	_ =	strace $0x80000046;
	[dreg:$0x1] =	wrdreg $0xFFFFFFFF  }
0xa8: {  	s28 =	simm.s32 $_size_execute0_lowered;
	s4 =	sadd.s32 s4, s6;
	[dreg:$0x0] =	wrdreg $0x0  }
0xa9: {  	s6 =	sshll.u32 s28, $0x1;
	[dreg:$0x2] =	wrdreg s4  }
0xaa: {  	[dreg:$0x3] =	wrdreg s6  }
0xab: {  	[dreg:$0x4] =	wrdreg $0xC0  }
0xac: {  	_ =	task [dreg:s8], $0x5FFFF  }
0xad: {  	[dreg:$0x1] =	wrdreg $0xFFFFFFFF  }
0xae: {  	[dreg:$0x0] =	wrdreg $0x60  }
0xaf: {  	[dreg:$0x2] =	wrdreg s2  }
0xb0: {  	[dreg:$0x3] =	wrdreg s24  }
0xb1: {  	[dreg:$0x4] =	wrdreg s18  }
0xb2: {  	[dreg:$0x5] =	wrdreg $0x9  }
0xb3: {  	_ =	task.clear_ibuf [dreg:s8], $0x6FFFF;
	_ =	strace $0x90000046  }
0xb4: {  	s29 =	simm.s32 $0x9;
	_ =	strace $0x80000048  }
0xb5: {  	_ =	swait.ge [sflag:s29], $0x1  }
0xb6: {  	[sflag:s29] =	ssyncadd.s32 $0xFFFFFFFF  }
0xb7: {  	_ =	strace $0x90000048  }
0xb8: {  	_ =	sfence  }
0xb9: {  	s30 =	sld [smem:$0x0];
	_ =	sdelay $0x2  }
0xba: {  	s31 =	sshll.u32 s1, $0xD;
	s1 =	sshrl.u32 s1, $0x2  }
0xbb: {  	s3 =	sand.u32 $0x4000, s31;
	s1 =	sadd.s32 s1, s30  }
0xbc: {  	s0 =	sor.u32 s3, s0;
	s1 =	sshll.u32 s1, $0x11  }
0xbd: {  	s0 =	sor.u32 s1, s0  }
0xbe: {  	s0 =	sadd.s32 $0x8F2B, s0  }
0xbf: {  	[sflag:s0] =	ssyncadd.remote.s32 $0x1  }
0xc0: {  	_ =	sfence.sel $0xFFFF  }
0xc1: {  	[dreg:$0x0] =	wrdreg $0xFFFFFFFF;
	(pc) =	sbr.abs _section_cstart, $3  }
0xc2: {  	[dreg:$0x1] =	wrdreg $0xFFFFFFFF  }
0xc3: {  	_ =	task.clear_ibuf [dreg:s8], $0x2FFFF;
	_ =	strace $0x9FFFFFFF  }
0xc4: {  	(tm) =	ssettm $0x7FFFFFFF  }
0xc5: {  	_ =	shalt  }
tec
execute0_lowered:
.L_overlay_start_1:
0x0: {  	(tag) =	ssettag $0x1  }
0x1: {  	s1 =	stileid.u32  }
0x2: {  	p0 =	sgt.u32 s1, $0x7  }
.Ltmp0:
0x3: {  	s2 =	rddreg [dreg:$0x0];
	(pc) =	sbr.rel @p0 .LBB2_4-.Ltmp0, $4  }
0x4: {  	s4 =	rddreg [dreg:$0x1]  }
0x5: {  	s14 =	rddreg [dreg:$0x2];
	s3 =	simm.s32 $0x0  }
0x6: {  	[smem:$0x7FF] =	sst s3  }
0x7: {  	s0 =	rddreg [dreg:$0x3];
	_ =	strace $0x80000047  }
0x8: {  	s5 =	srdreg.scid  }
0x9: {  	s30 =	sshll.u32 s1, $0x1;
	s12 =	sand.u32 $0x1, s5  }
0xa: {  	s4 =	sadd.s32 $0xA00, s4;
	s15 =	sor.u32 s12, s30  }
0xb: {  	s5 =	sadd.s32 s4, s15;
	s4 =	simm.s32 $0x2  }
0xc: {  	[tilespmem:s3], [sflag:$0x2] =	stream.linear.gather [hbm4b:s5+s3], $0x8, $0x38;
	[tilespmem:$0x2080] =	vst v63  }
0xd: {  	_ =	swait.ge [sflag:s4], $0x8  }
0xe: {  	[sflag:s4] =	ssyncset.done $0x0  }
0xf: {  	[sflag:s4] =	ssyncadd.s32 $0xFFFFFFF8  }
0x10: {  	v0 =	vld.msk [tilespmem:$0x0], $0xff;
	_ =	sdelay $0x4  }
0x11: {  	v1 =	vshll.u32 v0, $0x3  }
0x12: {  	v2 =	vlaneseq.u32;
	v3 =	vand.u32 $0x7, v0;
	v1 =	vand.u32 $0xFFFFFFC0, v1  }
0x13: {  	v0 =	vand.u32 $0x7, v2;
	v2 =	vshrl.u32 v2, $0x3;
	v3 =	vor.u32 v3, v1  }
0x14: {  	v1 =	vmul.u32 $0x8, v2;
	v2 =	vperm.xlane v3, v0;
	_ =	sdelay $0x1  }
0x15: {  	v2 =	vadd.s32 v1, v2;
	_ =	sdelay $0x3  }
0x16: {  	vm0 =	vmmov $0xffff;
	s6 =	simm.s32 $0x80;
	s7 =	sadd.s32 $0x100, s2;
	s16 =	ssub.s32 $0x2, s12  }
0x17: {  	[tilespmem:s6], [sflag:$0x1] =	stream.indirect_vreg.gather [hbm4b:s2+s3], $0x80, v2, vm0, $0xb8;
	[tilespmem:$0x2080] =	vst v63  }
0x18: {  	s8 =	simm.s32 $0x880;
	s9 =	sadd.s32 $0x200, s2;
	s17 =	sshrl.u32 s16, $0x1  }
0x19: {  	[tilespmem:s8], [sflag:$0x1] =	stream.indirect_vreg.gather [hbm4b:s7+s3], $0x80, v2, vm0, $0xb8;
	[tilespmem:$0x2080] =	vst v63  }
0x1a: {  	s10 =	sadd.s32 $0x300, s2;
	s11 =	simm.s32 $0x1080;
	s16 =	ssub.s32 s16, s17  }
0x1b: {  	[tilespmem:s11], [sflag:$0x1] =	stream.indirect_vreg.gather [hbm4b:s9+s3], $0x80, v2, vm0, $0xb8;
	[tilespmem:$0x2080] =	vst v63  }
0x1c: {  	s13 =	simm.s32 $0x1;
	s12 =	simm.s32 $0x1880;
	s31 =	smax.u32 s16, $0x1  }
0x1d: {  	[tilespmem:s12], [sflag:$0x1] =	stream.indirect_vreg.gather [hbm4b:s10+s3], $0x80, v2, vm0, $0xb8;
	[tilespmem:$0x2080] =	vst v63  }
0x1e: {  	p0 =	sne.s32 s31, $0x1;
	_ =	swait.ge [sflag:s13], $0x2000  }
.Ltmp1:
0x1f: {  	s15 =	sshll.u32 s15, $0xA;
	[sflag:s13] =	ssyncset.done $0x0;
	(pc) =	sbr.rel @!p0 .LBB2_3-.Ltmp1, $4  }
0x20: {  	s14 =	sadd.s32 s14, s15;
	[sflag:s13] =	ssyncadd.s32 $0xFFFFE000  }
0x21: {  	[hbm4b:s14+s3] =	stream.linear.scatter [tilespmem:s6], [sflag:$0x2], $0x2000, $0x38;
	[tilespmem:$0x2080] =	vst v63  }
0x22: {  	_ =	swait.ge [sflag:s4], $0x2000  }
0x23: {  	s15 =	sadd.s32 $0xFFFFFFFF, s31;
	[sflag:s4] =	ssyncset.done $0x0  }
.LBB2_2:
0x24: {  	p0 =	sne.s32 s15, $0x1;
	s15 =	sadd.s32 $0xFFFFFFFF, s15;
	[sflag:s4] =	ssyncadd.s32 $0xFFFFE000  }
0x25: {  	[tilespmem:s3], [sflag:$0x2] =	stream.linear.gather [hbm4b:s5+s3], $0x8, $0x38;
	[tilespmem:$0x2080] =	vst v63  }
0x26: {  	_ =	swait.ge [sflag:s4], $0x8  }
0x27: {  	[sflag:s4] =	ssyncset.done $0x0  }
0x28: {  	[sflag:s4] =	ssyncadd.s32 $0xFFFFFFF8  }
0x29: {  	v2 =	vld.msk [tilespmem:$0x0], $0xff;
	_ =	sdelay $0x4  }
0x2a: {  	v3 =	vshll.u32 v2, $0x3  }
0x2b: {  	v2 =	vand.u32 $0x7, v2;
	v3 =	vand.u32 $0xFFFFFFC0, v3  }
0x2c: {  	v2 =	vor.u32 v2, v3  }
0x2d: {  	v2 =	vperm.xlane v2, v0;
	_ =	sdelay $0x1  }
0x2e: {  	v2 =	vadd.s32 v1, v2;
	_ =	sdelay $0x4  }
0x2f: {  	[tilespmem:s6], [sflag:$0x1] =	stream.indirect_vreg.gather [hbm4b:s2+s3], $0x80, v2, vm0, $0xb8;
	[tilespmem:$0x2080] =	vst v63  }
0x30: {  	_ = 	snop  }
0x31: {  	[tilespmem:s8], [sflag:$0x1] =	stream.indirect_vreg.gather [hbm4b:s7+s3], $0x80, v2, vm0, $0xb8;
	[tilespmem:$0x2080] =	vst v63  }
0x32: {  	_ = 	snop  }
0x33: {  	[tilespmem:s11], [sflag:$0x1] =	stream.indirect_vreg.gather [hbm4b:s9+s3], $0x80, v2, vm0, $0xb8;
	[tilespmem:$0x2080] =	vst v63  }
0x34: {  	_ = 	snop  }
0x35: {  	[tilespmem:s12], [sflag:$0x1] =	stream.indirect_vreg.gather [hbm4b:s10+s3], $0x80, v2, vm0, $0xb8;
	[tilespmem:$0x2080] =	vst v63  }
0x36: {  	_ =	swait.ge [sflag:s13], $0x2000  }
.Ltmp2:
0x37: {  	[sflag:s13] =	ssyncset.done $0x0;
	(pc) =	sbr.rel @p0 .LBB2_2-.Ltmp2, $4  }
0x38: {  	[sflag:s13] =	ssyncadd.s32 $0xFFFFE000  }
0x39: {  	[hbm4b:s14+s3] =	stream.linear.scatter [tilespmem:s6], [sflag:$0x2], $0x2000, $0x38;
	[tilespmem:$0x2080] =	vst v63  }
0x3a: {  	_ =	swait.ge [sflag:s4], $0x2000  }
0x3b: {  	[sflag:s4] =	ssyncset.done $0x0  }
.LBB2_3:
0x3c: {  	[sflag:s4] =	ssyncadd.s32 $0xFFFFE000  }
.LBB2_4:
0x3d: {  	_ =	sfence.sel $0x180000  }
0x3e: {  	[bflag:$0x0] =	sbarrier.arrive $0xFFFF  }
0x3f: {  	p0 =	sne.s32 s1, $0x0;
	_ =	strace $0x90000047  }
0x40: {  	s0 =	sadd.s32 @!p0 $0x100000, s0;
	[bflag:$0x2] =	sbarrier.arrive $0xFFFF  }
0x41: {  	[sflag:s0] =	ssyncadd.tile.s32 @!p0 $0x1;
	_ =	shalt  }
.Lfunc_end2:
_tile_overlayer_lowered:
.L_overlay_start_2:
0x42: {  	(tag) =	ssettag $0x2  }
0x43: {  	s0 =	rddreg [dreg:$0x0];
	s2 =	stileid.u32  }
0x44: {  	s1 =	rddreg [dreg:$0x1];
	p0 =	sne.s32 s2, $0x0  }
0x45: {  	s3 =	rddreg [dreg:$0x2];
	[bflag:$0x3] =	sbarrier.arrive $0xFFFF;
	s2 =	simm.s32 @!p0 $0x1C02  }
0x46: {  	[timem:s3], [sflag:s2] =	dma.local @!p0 [hbm:s0], s1  }
0x47: {  	s0 =	simm.s32 @!p0 $0x2  }
0x48: {  	_ =	swait.ge @!p0 [sflag:s0], s1  }
0x49: {  	s1 =	ssub.s32 @!p0 $0x0, s1;
	[sflag:s0] =	ssyncset.done @!p0 $0x0  }
0x4a: {  	[sflag:s0] =	ssyncadd.s32 @!p0 s1  }
0x4b: {  	[bflag:$0x3] =	sbarrier.arrive $0xFFFF  }
0x4c: {  	_ =	shalt  }

</sc_bundles>
